<compile_context>
chip_gen: v7x
topology: tpu7x:2x2x1
jax: 0.10.2.dev20260603
libtpu: 0.0.44.dev20260713+nightly
codegen_flags: <defaults>
</compile_context>

<pallas_src>
import functools

import jax
import jax.numpy as jnp
from jax import lax
from jax.experimental import pallas as pl
from jax.experimental.pallas import tpu as pltpu
from jax.experimental.pallas import tpu_sc as plsc

_EMBED = 64
_BATCH = 16384
_N_NEG = 5
_NW = 32
_ROWS = _BATCH // _NW


def _sc_gather(pos_w, pos_v, neg_t, w_emb, v_emb):
    mesh = plsc.VectorSubcoreMesh(core_axis_name="c", subcore_axis_name="s")

    @functools.partial(
        pl.kernel,
        out_type=(
            jax.ShapeDtypeStruct((_BATCH, _EMBED), jnp.float32),
            jax.ShapeDtypeStruct((_BATCH, _EMBED), jnp.float32),
            jax.ShapeDtypeStruct((_N_NEG * _BATCH, _EMBED), jnp.float32),
        ),
        mesh=mesh,
        scratch_types=[
            pltpu.VMEM((_ROWS,), jnp.int32),
            pltpu.VMEM((_ROWS, _EMBED), jnp.float32),
            pltpu.SemaphoreType.DMA,
        ],
        compiler_params=pltpu.CompilerParams(use_tc_tiling_on_sc=False),
    )
    def k(pos_w_hbm, pos_v_hbm, neg_hbm, w_hbm, v_hbm,
          gw_hbm, gv_hbm, gneg_hbm, idx_v, rows_v, sem):
        wid = lax.axis_index("s") * 2 + lax.axis_index("c")
        base = wid * _ROWS

        pltpu.sync_copy(pos_w_hbm.at[pl.ds(base, _ROWS)], idx_v)
        pltpu.async_copy(w_hbm.at[idx_v], rows_v, sem).wait()
        pltpu.sync_copy(rows_v, gw_hbm.at[pl.ds(base, _ROWS)])

        pltpu.sync_copy(pos_v_hbm.at[pl.ds(base, _ROWS)], idx_v)
        pltpu.async_copy(v_hbm.at[idx_v], rows_v, sem).wait()
        pltpu.sync_copy(rows_v, gv_hbm.at[pl.ds(base, _ROWS)])

        for n in range(_N_NEG):
            off = n * _BATCH + base
            pltpu.sync_copy(neg_hbm.at[pl.ds(off, _ROWS)], idx_v)
            pltpu.async_copy(v_hbm.at[idx_v], rows_v, sem).wait()
            pltpu.sync_copy(rows_v, gneg_hbm.at[pl.ds(off, _ROWS)])

    return k(pos_w, pos_v, neg_t, w_emb, v_emb)


def _log_sigmoid(x):
    return jnp.minimum(x, 0.0) - jnp.log(1.0 + jnp.exp(-jnp.abs(x)))


_BB = 2048


def _tc_loss_body(gw_ref, gv_ref, gneg_ref, out_ref):
    i = pl.program_id(0)
    w = gw_ref[...]
    v = gv_ref[...]
    s = jnp.sum(w * v, axis=1)
    s = jnp.clip(s, -10.0, 10.0)
    part = jnp.sum(_log_sigmoid(s))
    neg = gneg_ref[...]
    ns = jnp.sum(neg * w[None, :, :], axis=2)
    ns = jnp.clip(ns, -10.0, 10.0)
    part = part + jnp.sum(_log_sigmoid(-ns))

    @pl.when(i == 0)
    def _():
        out_ref[0, 0] = 0.0

    out_ref[0, 0] += -part


def _tc_loss(gw, gv, gneg3):
    out = pl.pallas_call(
        _tc_loss_body,
        grid=(_BATCH // _BB,),
        in_specs=[
            pl.BlockSpec((_BB, _EMBED), lambda i: (i, 0)),
            pl.BlockSpec((_BB, _EMBED), lambda i: (i, 0)),
            pl.BlockSpec((_N_NEG, _BB, _EMBED), lambda i: (0, i, 0)),
        ],
        out_specs=pl.BlockSpec(memory_space=pltpu.SMEM),
        out_shape=jax.ShapeDtypeStruct((1, 1), jnp.float32),
    )(gw, gv, gneg3)
    return out[0, 0]


def kernel(pos_w, pos_v, neg_v, w_emb, v_emb):
    neg_t = neg_v.astype(jnp.int32).T.reshape(_N_NEG * _BATCH)
    gw, gv, gneg = _sc_gather(pos_w.astype(jnp.int32),
                              pos_v.astype(jnp.int32),
                              neg_t, w_emb, v_emb)
    gneg3 = gneg.reshape(_N_NEG, _BATCH, _EMBED)
    return _tc_loss(gw, gv, gneg3)

# --- scband reference (transcript-rebuilt; emitter-appended) ---
"""Pipeline reference for scband-skip-gram-model-24687472017958 (READ-ONLY COPY).

The authoritative reference and input builder live on the scoring server;
editing this copy changes nothing except your own understanding.
"""

import jax, jax.numpy as jnp
import numpy as np

VOCAB = 1000000
EMBED = 64
BATCH = 16384
N_NEG = 5


def setup_inputs(seed: int = 0) -> dict:
    key = jax.random.key(seed)
    k1, k2, k3, k4 = jax.random.split(key, 4)
    pos_w = jax.random.randint(k1, (BATCH,), 0, VOCAB, dtype=jnp.int64 if jax.config.jax_enable_x64 else jnp.int32)
    pos_v = jax.random.randint(k2, (BATCH,), 0, VOCAB, dtype=jnp.int64 if jax.config.jax_enable_x64 else jnp.int32)
    neg_v = jax.random.randint(k3, (BATCH, N_NEG), 0, VOCAB, dtype=jnp.int64 if jax.config.jax_enable_x64 else jnp.int32)
    initrange = 0.5 / EMBED
    kw, kv = jax.random.split(k4)
    w_emb = jax.random.uniform(kw, (VOCAB, EMBED), dtype=jnp.float32, minval=-initrange, maxval=initrange)
    # v_embeddings initialized to zero in the original module; use small random values
    # so the loss is non-degenerate, matching typical training-time state.
    v_emb = jax.random.uniform(kv, (VOCAB, EMBED), dtype=jnp.float32, minval=-initrange, maxval=initrange)
    return {"pos_w": pos_w, "pos_v": pos_v, "neg_v": neg_v, "w_emb": w_emb, "v_emb": v_emb}


def reference(pos_w, pos_v, neg_v, w_emb, v_emb):
    # embedding lookups (gather)
    emb_w = jnp.take(w_emb, pos_w, axis=0)          # [B, D]
    emb_v = jnp.take(v_emb, pos_v, axis=0)          # [B, D]
    neg_emb_v = jnp.take(v_emb, neg_v, axis=0)      # [B, N_NEG, D]
    # positive score
    score = jnp.sum(emb_w * emb_v, axis=1)          # [B]
    score = jnp.clip(score, -10.0, 10.0)
    score = jax.nn.log_sigmoid(score)
    # negative score: bmm(neg_emb_v, emb_w.unsqueeze(2)) -> [B, N_NEG, 1]
    neg_score = jnp.einsum('bnd,bd->bn', neg_emb_v, emb_w)
    neg_score = jnp.clip(neg_score, -10.0, 10.0)
    neg_score = jax.nn.log_sigmoid(-neg_score)
    loss = -jnp.sum(score) - jnp.sum(neg_score)
    return loss

if __name__ == "__main__":
    import jax
    _d = setup_inputs()
    print(jax.jit(kernel)(*tuple(_d.values())))

</pallas_src>

<mosaic_0001>
#map = affine_map<(d0, d1) -> (0)>
#map1 = affine_map<(d0, d1) -> (0, 0)>
module attributes {stable_mosaic.version = 14 : i64} {
  func.func @k(%arg0: i32, %arg1: i32, %arg2: memref<16384xi32, #tpu.memory_space<hbm>>, %arg3: memref<16384xi32, #tpu.memory_space<hbm>>, %arg4: memref<81920xi32, #tpu.memory_space<hbm>>, %arg5: memref<1000000x64xf32, #tpu.memory_space<hbm>>, %arg6: memref<1000000x64xf32, #tpu.memory_space<hbm>>, %arg7: memref<16384x64xf32, #tpu.memory_space<hbm>>, %arg8: memref<16384x64xf32, #tpu.memory_space<hbm>>, %arg9: memref<81920x64xf32, #tpu.memory_space<hbm>>, %arg10: memref<512xi32, #tpu.memory_space<vmem>>, %arg11: memref<512x64xf32, #tpu.memory_space<vmem>>, %arg12: memref<!tpu.dma_semaphore, #tpu.memory_space<semaphore_mem>>) attributes {dimension_semantics = [#tpu.dimension_semantics<core_parallel>, #tpu.dimension_semantics<subcore_parallel>], iteration_bounds = array<i64: 2, 16>, scalar_prefetch = 0 : i64, scratch_operands = 3 : i64, tpu.core_type = #tpu.core_type<sc_vector_subcore>, window_params = [{transform_indices = #map}, {transform_indices = #map}, {transform_indices = #map}, {transform_indices = #map1}, {transform_indices = #map1}, {transform_indices = #map1}, {transform_indices = #map1}, {transform_indices = #map1}]} {
    %mul3A = arith.constant 2 : i32
    %mul3A_0 = arith.muli %arg1, %mul3A : i32
    %add3A = arith.addi %mul3A_0, %arg0 : i32
    %mul3A_1 = arith.constant 512 : i32
    %mul3A_2 = arith.muli %add3A, %mul3A_1 : i32
    "tpu.region"() ({
      %run_scoped3A = tpu.sem_alloc : memref<!tpu.dma_semaphore, #tpu.memory_space<semaphore_mem>>
      %dma_start3A_53 = tpu.memref_slice %arg2[%mul3A_2] : memref<16384xi32, #tpu.memory_space<hbm>> -> memref<512xi32, #tpu.memory_space<hbm>>
      %dma_start3A_54 = tpu.memref_slice %arg2[%mul3A_2] : memref<16384xi32, #tpu.memory_space<hbm>> -> memref<512xi32, #tpu.memory_space<hbm>>
      tpu.enqueue_dma source(%dma_start3A_54 : memref<512xi32, #tpu.memory_space<hbm>>) target(%arg10 : memref<512xi32, #tpu.memory_space<vmem>>) target_semaphore(%run_scoped3A : memref<!tpu.dma_semaphore, #tpu.memory_space<semaphore_mem>>)
      %dma_wait3A_55 = tpu.memref_slice %arg2[%mul3A_2] : memref<16384xi32, #tpu.memory_space<hbm>> -> memref<512xi32, #tpu.memory_space<hbm>>
      %dma_wait3A_56 = tpu.memref_slice %arg2[%mul3A_2] : memref<16384xi32, #tpu.memory_space<hbm>> -> memref<512xi32, #tpu.memory_space<hbm>>
      tpu.wait_dma2 semaphore(%run_scoped3A : memref<!tpu.dma_semaphore, #tpu.memory_space<semaphore_mem>>) src(%dma_wait3A_56 : memref<512xi32, #tpu.memory_space<hbm>>) dst(%arg10 : memref<512xi32, #tpu.memory_space<vmem>>)
      tpu.yield
    }) : () -> ()
    %dma_start3A = arith.constant 0 : i32
    %dma_start3A_3 = arith.constant 0 : i32
    %dma_start3A_4 = tpu.memref_slice %arg5[%dma_start3A, %dma_start3A_3] : memref<1000000x64xf32, #tpu.memory_space<hbm>> -> memref<1000000x64xf32, #tpu.memory_space<hbm>>
    tpu.enqueue_indirect_dma source(%dma_start3A_4 : memref<1000000x64xf32, #tpu.memory_space<hbm>>) target(%arg11 : memref<512x64xf32, #tpu.memory_space<vmem>>) offsets(%arg10 : memref<512xi32, #tpu.memory_space<vmem>>) semaphore(%arg12 : memref<!tpu.dma_semaphore, #tpu.memory_space<semaphore_mem>>)
    %dma_wait3A = arith.constant 0 : i32
    %dma_wait3A_5 = arith.constant 0 : i32
    %dma_wait3A_6 = tpu.memref_slice %arg5[%dma_wait3A, %dma_wait3A_5] : memref<1000000x64xf32, #tpu.memory_space<hbm>> -> memref<1000000x64xf32, #tpu.memory_space<hbm>>
    tpu.wait_indirect_dma semaphore(%arg12 : memref<!tpu.dma_semaphore, #tpu.memory_space<semaphore_mem>>) src(%dma_wait3A_6 : memref<1000000x64xf32, #tpu.memory_space<hbm>>) dst(%arg11 : memref<512x64xf32, #tpu.memory_space<vmem>>)
    "tpu.region"() ({
      %run_scoped3A = tpu.sem_alloc : memref<!tpu.dma_semaphore, #tpu.memory_space<semaphore_mem>>
      %dma_start3A_53 = arith.constant 0 : i32
      %dma_start3A_54 = tpu.memref_slice %arg7[%mul3A_2, %dma_start3A_53] : memref<16384x64xf32, #tpu.memory_space<hbm>> -> memref<512x64xf32, #tpu.memory_space<hbm>>
      %dma_start3A_55 = arith.constant 0 : i32
      %dma_start3A_56 = tpu.memref_slice %arg7[%mul3A_2, %dma_start3A_55] : memref<16384x64xf32, #tpu.memory_space<hbm>> -> memref<512x64xf32, #tpu.memory_space<hbm>>
      tpu.enqueue_dma source(%arg11 : memref<512x64xf32, #tpu.memory_space<vmem>>) target(%dma_start3A_56 : memref<512x64xf32, #tpu.memory_space<hbm>>) target_semaphore(%run_scoped3A : memref<!tpu.dma_semaphore, #tpu.memory_space<semaphore_mem>>)
      %dma_wait3A_57 = arith.constant 0 : i32
      %dma_wait3A_58 = tpu.memref_slice %arg7[%mul3A_2, %dma_wait3A_57] : memref<16384x64xf32, #tpu.memory_space<hbm>> -> memref<512x64xf32, #tpu.memory_space<hbm>>
      %dma_wait3A_59 = arith.constant 0 : i32
      %dma_wait3A_60 = tpu.memref_slice %arg7[%mul3A_2, %dma_wait3A_59] : memref<16384x64xf32, #tpu.memory_space<hbm>> -> memref<512x64xf32, #tpu.memory_space<hbm>>
      tpu.wait_dma2 semaphore(%run_scoped3A : memref<!tpu.dma_semaphore, #tpu.memory_space<semaphore_mem>>) src(%arg11 : memref<512x64xf32, #tpu.memory_space<vmem>>) dst(%dma_wait3A_60 : memref<512x64xf32, #tpu.memory_space<hbm>>)
      tpu.yield
    }) : () -> ()
    "tpu.region"() ({
      %run_scoped3A = tpu.sem_alloc : memref<!tpu.dma_semaphore, #tpu.memory_space<semaphore_mem>>
      %dma_start3A_53 = tpu.memref_slice %arg3[%mul3A_2] : memref<16384xi32, #tpu.memory_space<hbm>> -> memref<512xi32, #tpu.memory_space<hbm>>
      %dma_start3A_54 = tpu.memref_slice %arg3[%mul3A_2] : memref<16384xi32, #tpu.memory_space<hbm>> -> memref<512xi32, #tpu.memory_space<hbm>>
      tpu.enqueue_dma source(%dma_start3A_54 : memref<512xi32, #tpu.memory_space<hbm>>) target(%arg10 : memref<512xi32, #tpu.memory_space<vmem>>) target_semaphore(%run_scoped3A : memref<!tpu.dma_semaphore, #tpu.memory_space<semaphore_mem>>)
      %dma_wait3A_55 = tpu.memref_slice %arg3[%mul3A_2] : memref<16384xi32, #tpu.memory_space<hbm>> -> memref<512xi32, #tpu.memory_space<hbm>>
      %dma_wait3A_56 = tpu.memref_slice %arg3[%mul3A_2] : memref<16384xi32, #tpu.memory_space<hbm>> -> memref<512xi32, #tpu.memory_space<hbm>>
      tpu.wait_dma2 semaphore(%run_scoped3A : memref<!tpu.dma_semaphore, #tpu.memory_space<semaphore_mem>>) src(%dma_wait3A_56 : memref<512xi32, #tpu.memory_space<hbm>>) dst(%arg10 : memref<512xi32, #tpu.memory_space<vmem>>)
      tpu.yield
    }) : () -> ()
    %dma_start3A_7 = arith.constant 0 : i32
    %dma_start3A_8 = arith.constant 0 : i32
    %dma_start3A_9 = tpu.memref_slice %arg6[%dma_start3A_7, %dma_start3A_8] : memref<1000000x64xf32, #tpu.memory_space<hbm>> -> memref<1000000x64xf32, #tpu.memory_space<hbm>>
    tpu.enqueue_indirect_dma source(%dma_start3A_9 : memref<1000000x64xf32, #tpu.memory_space<hbm>>) target(%arg11 : memref<512x64xf32, #tpu.memory_space<vmem>>) offsets(%arg10 : memref<512xi32, #tpu.memory_space<vmem>>) semaphore(%arg12 : memref<!tpu.dma_semaphore, #tpu.memory_space<semaphore_mem>>)
    %dma_wait3A_10 = arith.constant 0 : i32
    %dma_wait3A_11 = arith.constant 0 : i32
    %dma_wait3A_12 = tpu.memref_slice %arg6[%dma_wait3A_10, %dma_wait3A_11] : memref<1000000x64xf32, #tpu.memory_space<hbm>> -> memref<1000000x64xf32, #tpu.memory_space<hbm>>
    tpu.wait_indirect_dma semaphore(%arg12 : memref<!tpu.dma_semaphore, #tpu.memory_space<semaphore_mem>>) src(%dma_wait3A_12 : memref<1000000x64xf32, #tpu.memory_space<hbm>>) dst(%arg11 : memref<512x64xf32, #tpu.memory_space<vmem>>)
    "tpu.region"() ({
      %run_scoped3A = tpu.sem_alloc : memref<!tpu.dma_semaphore, #tpu.memory_space<semaphore_mem>>
      %dma_start3A_53 = arith.constant 0 : i32
      %dma_start3A_54 = tpu.memref_slice %arg8[%mul3A_2, %dma_start3A_53] : memref<16384x64xf32, #tpu.memory_space<hbm>> -> memref<512x64xf32, #tpu.memory_space<hbm>>
      %dma_start3A_55 = arith.constant 0 : i32
      %dma_start3A_56 = tpu.memref_slice %arg8[%mul3A_2, %dma_start3A_55] : memref<16384x64xf32, #tpu.memory_space<hbm>> -> memref<512x64xf32, #tpu.memory_space<hbm>>
      tpu.enqueue_dma source(%arg11 : memref<512x64xf32, #tpu.memory_space<vmem>>) target(%dma_start3A_56 : memref<512x64xf32, #tpu.memory_space<hbm>>) target_semaphore(%run_scoped3A : memref<!tpu.dma_semaphore, #tpu.memory_space<semaphore_mem>>)
      %dma_wait3A_57 = arith.constant 0 : i32
      %dma_wait3A_58 = tpu.memref_slice %arg8[%mul3A_2, %dma_wait3A_57] : memref<16384x64xf32, #tpu.memory_space<hbm>> -> memref<512x64xf32, #tpu.memory_space<hbm>>
      %dma_wait3A_59 = arith.constant 0 : i32
      %dma_wait3A_60 = tpu.memref_slice %arg8[%mul3A_2, %dma_wait3A_59] : memref<16384x64xf32, #tpu.memory_space<hbm>> -> memref<512x64xf32, #tpu.memory_space<hbm>>
      tpu.wait_dma2 semaphore(%run_scoped3A : memref<!tpu.dma_semaphore, #tpu.memory_space<semaphore_mem>>) src(%arg11 : memref<512x64xf32, #tpu.memory_space<vmem>>) dst(%dma_wait3A_60 : memref<512x64xf32, #tpu.memory_space<hbm>>)
      tpu.yield
    }) : () -> ()
    %add3A_13 = arith.constant 0 : i32
    %add3A_14 = arith.addi %add3A_13, %mul3A_2 : i32
    "tpu.region"() ({
      %run_scoped3A = tpu.sem_alloc : memref<!tpu.dma_semaphore, #tpu.memory_space<semaphore_mem>>
      %dma_start3A_53 = tpu.memref_slice %arg4[%add3A_14] : memref<81920xi32, #tpu.memory_space<hbm>> -> memref<512xi32, #tpu.memory_space<hbm>>
      %dma_start3A_54 = tpu.memref_slice %arg4[%add3A_14] : memref<81920xi32, #tpu.memory_space<hbm>> -> memref<512xi32, #tpu.memory_space<hbm>>
      tpu.enqueue_dma source(%dma_start3A_54 : memref<512xi32, #tpu.memory_space<hbm>>) target(%arg10 : memref<512xi32, #tpu.memory_space<vmem>>) target_semaphore(%run_scoped3A : memref<!tpu.dma_semaphore, #tpu.memory_space<semaphore_mem>>)
      %dma_wait3A_55 = tpu.memref_slice %arg4[%add3A_14] : memref<81920xi32, #tpu.memory_space<hbm>> -> memref<512xi32, #tpu.memory_space<hbm>>
      %dma_wait3A_56 = tpu.memref_slice %arg4[%add3A_14] : memref<81920xi32, #tpu.memory_space<hbm>> -> memref<512xi32, #tpu.memory_space<hbm>>
      tpu.wait_dma2 semaphore(%run_scoped3A : memref<!tpu.dma_semaphore, #tpu.memory_space<semaphore_mem>>) src(%dma_wait3A_56 : memref<512xi32, #tpu.memory_space<hbm>>) dst(%arg10 : memref<512xi32, #tpu.memory_space<vmem>>)
      tpu.yield
    }) : () -> ()
    %dma_start3A_15 = arith.constant 0 : i32
    %dma_start3A_16 = arith.constant 0 : i32
    %dma_start3A_17 = tpu.memref_slice %arg6[%dma_start3A_15, %dma_start3A_16] : memref<1000000x64xf32, #tpu.memory_space<hbm>> -> memref<1000000x64xf32, #tpu.memory_space<hbm>>
    tpu.enqueue_indirect_dma source(%dma_start3A_17 : memref<1000000x64xf32, #tpu.memory_space<hbm>>) target(%arg11 : memref<512x64xf32, #tpu.memory_space<vmem>>) offsets(%arg10 : memref<512xi32, #tpu.memory_space<vmem>>) semaphore(%arg12 : memref<!tpu.dma_semaphore, #tpu.memory_space<semaphore_mem>>)
    %dma_wait3A_18 = arith.constant 0 : i32
    %dma_wait3A_19 = arith.constant 0 : i32
    %dma_wait3A_20 = tpu.memref_slice %arg6[%dma_wait3A_18, %dma_wait3A_19] : memref<1000000x64xf32, #tpu.memory_space<hbm>> -> memref<1000000x64xf32, #tpu.memory_space<hbm>>
    tpu.wait_indirect_dma semaphore(%arg12 : memref<!tpu.dma_semaphore, #tpu.memory_space<semaphore_mem>>) src(%dma_wait3A_20 : memref<1000000x64xf32, #tpu.memory_space<hbm>>) dst(%arg11 : memref<512x64xf32, #tpu.memory_space<vmem>>)
    "tpu.region"() ({
      %run_scoped3A = tpu.sem_alloc : memref<!tpu.dma_semaphore, #tpu.memory_space<semaphore_mem>>
      %dma_start3A_53 = arith.constant 0 : i32
      %dma_start3A_54 = tpu.memref_slice %arg9[%add3A_14, %dma_start3A_53] : memref<81920x64xf32, #tpu.memory_space<hbm>> -> memref<512x64xf32, #tpu.memory_space<hbm>>
      %dma_start3A_55 = arith.constant 0 : i32
      %dma_start3A_56 = tpu.memref_slice %arg9[%add3A_14, %dma_start3A_55] : memref<81920x64xf32, #tpu.memory_space<hbm>> -> memref<512x64xf32, #tpu.memory_space<hbm>>
      tpu.enqueue_dma source(%arg11 : memref<512x64xf32, #tpu.memory_space<vmem>>) target(%dma_start3A_56 : memref<512x64xf32, #tpu.memory_space<hbm>>) target_semaphore(%run_scoped3A : memref<!tpu.dma_semaphore, #tpu.memory_space<semaphore_mem>>)
      %dma_wait3A_57 = arith.constant 0 : i32
      %dma_wait3A_58 = tpu.memref_slice %arg9[%add3A_14, %dma_wait3A_57] : memref<81920x64xf32, #tpu.memory_space<hbm>> -> memref<512x64xf32, #tpu.memory_space<hbm>>
      %dma_wait3A_59 = arith.constant 0 : i32
      %dma_wait3A_60 = tpu.memref_slice %arg9[%add3A_14, %dma_wait3A_59] : memref<81920x64xf32, #tpu.memory_space<hbm>> -> memref<512x64xf32, #tpu.memory_space<hbm>>
      tpu.wait_dma2 semaphore(%run_scoped3A : memref<!tpu.dma_semaphore, #tpu.memory_space<semaphore_mem>>) src(%arg11 : memref<512x64xf32, #tpu.memory_space<vmem>>) dst(%dma_wait3A_60 : memref<512x64xf32, #tpu.memory_space<hbm>>)
      tpu.yield
    }) : () -> ()
    %add3A_21 = arith.constant 16384 : i32
    %add3A_22 = arith.addi %add3A_21, %mul3A_2 : i32
    "tpu.region"() ({
      %run_scoped3A = tpu.sem_alloc : memref<!tpu.dma_semaphore, #tpu.memory_space<semaphore_mem>>
      %dma_start3A_53 = tpu.memref_slice %arg4[%add3A_22] : memref<81920xi32, #tpu.memory_space<hbm>> -> memref<512xi32, #tpu.memory_space<hbm>>
      %dma_start3A_54 = tpu.memref_slice %arg4[%add3A_22] : memref<81920xi32, #tpu.memory_space<hbm>> -> memref<512xi32, #tpu.memory_space<hbm>>
      tpu.enqueue_dma source(%dma_start3A_54 : memref<512xi32, #tpu.memory_space<hbm>>) target(%arg10 : memref<512xi32, #tpu.memory_space<vmem>>) target_semaphore(%run_scoped3A : memref<!tpu.dma_semaphore, #tpu.memory_space<semaphore_mem>>)
      %dma_wait3A_55 = tpu.memref_slice %arg4[%add3A_22] : memref<81920xi32, #tpu.memory_space<hbm>> -> memref<512xi32, #tpu.memory_space<hbm>>
      %dma_wait3A_56 = tpu.memref_slice %arg4[%add3A_22] : memref<81920xi32, #tpu.memory_space<hbm>> -> memref<512xi32, #tpu.memory_space<hbm>>
      tpu.wait_dma2 semaphore(%run_scoped3A : memref<!tpu.dma_semaphore, #tpu.memory_space<semaphore_mem>>) src(%dma_wait3A_56 : memref<512xi32, #tpu.memory_space<hbm>>) dst(%arg10 : memref<512xi32, #tpu.memory_space<vmem>>)
      tpu.yield
    }) : () -> ()
    %dma_start3A_23 = arith.constant 0 : i32
    %dma_start3A_24 = arith.constant 0 : i32
    %dma_start3A_25 = tpu.memref_slice %arg6[%dma_start3A_23, %dma_start3A_24] : memref<1000000x64xf32, #tpu.memory_space<hbm>> -> memref<1000000x64xf32, #tpu.memory_space<hbm>>
    tpu.enqueue_indirect_dma source(%dma_start3A_25 : memref<1000000x64xf32, #tpu.memory_space<hbm>>) target(%arg11 : memref<512x64xf32, #tpu.memory_space<vmem>>) offsets(%arg10 : memref<512xi32, #tpu.memory_space<vmem>>) semaphore(%arg12 : memref<!tpu.dma_semaphore, #tpu.memory_space<semaphore_mem>>)
    %dma_wait3A_26 = arith.constant 0 : i32
    %dma_wait3A_27 = arith.constant 0 : i32
    %dma_wait3A_28 = tpu.memref_slice %arg6[%dma_wait3A_26, %dma_wait3A_27] : memref<1000000x64xf32, #tpu.memory_space<hbm>> -> memref<1000000x64xf32, #tpu.memory_space<hbm>>
    tpu.wait_indirect_dma semaphore(%arg12 : memref<!tpu.dma_semaphore, #tpu.memory_space<semaphore_mem>>) src(%dma_wait3A_28 : memref<1000000x64xf32, #tpu.memory_space<hbm>>) dst(%arg11 : memref<512x64xf32, #tpu.memory_space<vmem>>)
    "tpu.region"() ({
      %run_scoped3A = tpu.sem_alloc : memref<!tpu.dma_semaphore, #tpu.memory_space<semaphore_mem>>
      %dma_start3A_53 = arith.constant 0 : i32
      %dma_start3A_54 = tpu.memref_slice %arg9[%add3A_22, %dma_start3A_53] : memref<81920x64xf32, #tpu.memory_space<hbm>> -> memref<512x64xf32, #tpu.memory_space<hbm>>
      %dma_start3A_55 = arith.constant 0 : i32
      %dma_start3A_56 = tpu.memref_slice %arg9[%add3A_22, %dma_start3A_55] : memref<81920x64xf32, #tpu.memory_space<hbm>> -> memref<512x64xf32, #tpu.memory_space<hbm>>
      tpu.enqueue_dma source(%arg11 : memref<512x64xf32, #tpu.memory_space<vmem>>) target(%dma_start3A_56 : memref<512x64xf32, #tpu.memory_space<hbm>>) target_semaphore(%run_scoped3A : memref<!tpu.dma_semaphore, #tpu.memory_space<semaphore_mem>>)
      %dma_wait3A_57 = arith.constant 0 : i32
      %dma_wait3A_58 = tpu.memref_slice %arg9[%add3A_22, %dma_wait3A_57] : memref<81920x64xf32, #tpu.memory_space<hbm>> -> memref<512x64xf32, #tpu.memory_space<hbm>>
      %dma_wait3A_59 = arith.constant 0 : i32
      %dma_wait3A_60 = tpu.memref_slice %arg9[%add3A_22, %dma_wait3A_59] : memref<81920x64xf32, #tpu.memory_space<hbm>> -> memref<512x64xf32, #tpu.memory_space<hbm>>
      tpu.wait_dma2 semaphore(%run_scoped3A : memref<!tpu.dma_semaphore, #tpu.memory_space<semaphore_mem>>) src(%arg11 : memref<512x64xf32, #tpu.memory_space<vmem>>) dst(%dma_wait3A_60 : memref<512x64xf32, #tpu.memory_space<hbm>>)
      tpu.yield
    }) : () -> ()
    %add3A_29 = arith.constant 32768 : i32
    %add3A_30 = arith.addi %add3A_29, %mul3A_2 : i32
    "tpu.region"() ({
      %run_scoped3A = tpu.sem_alloc : memref<!tpu.dma_semaphore, #tpu.memory_space<semaphore_mem>>
      %dma_start3A_53 = tpu.memref_slice %arg4[%add3A_30] : memref<81920xi32, #tpu.memory_space<hbm>> -> memref<512xi32, #tpu.memory_space<hbm>>
      %dma_start3A_54 = tpu.memref_slice %arg4[%add3A_30] : memref<81920xi32, #tpu.memory_space<hbm>> -> memref<512xi32, #tpu.memory_space<hbm>>
      tpu.enqueue_dma source(%dma_start3A_54 : memref<512xi32, #tpu.memory_space<hbm>>) target(%arg10 : memref<512xi32, #tpu.memory_space<vmem>>) target_semaphore(%run_scoped3A : memref<!tpu.dma_semaphore, #tpu.memory_space<semaphore_mem>>)
      %dma_wait3A_55 = tpu.memref_slice %arg4[%add3A_30] : memref<81920xi32, #tpu.memory_space<hbm>> -> memref<512xi32, #tpu.memory_space<hbm>>
      %dma_wait3A_56 = tpu.memref_slice %arg4[%add3A_30] : memref<81920xi32, #tpu.memory_space<hbm>> -> memref<512xi32, #tpu.memory_space<hbm>>
      tpu.wait_dma2 semaphore(%run_scoped3A : memref<!tpu.dma_semaphore, #tpu.memory_space<semaphore_mem>>) src(%dma_wait3A_56 : memref<512xi32, #tpu.memory_space<hbm>>) dst(%arg10 : memref<512xi32, #tpu.memory_space<vmem>>)
      tpu.yield
    }) : () -> ()
    %dma_start3A_31 = arith.constant 0 : i32
    %dma_start3A_32 = arith.constant 0 : i32
    %dma_start3A_33 = tpu.memref_slice %arg6[%dma_start3A_31, %dma_start3A_32] : memref<1000000x64xf32, #tpu.memory_space<hbm>> -> memref<1000000x64xf32, #tpu.memory_space<hbm>>
    tpu.enqueue_indirect_dma source(%dma_start3A_33 : memref<1000000x64xf32, #tpu.memory_space<hbm>>) target(%arg11 : memref<512x64xf32, #tpu.memory_space<vmem>>) offsets(%arg10 : memref<512xi32, #tpu.memory_space<vmem>>) semaphore(%arg12 : memref<!tpu.dma_semaphore, #tpu.memory_space<semaphore_mem>>)
    %dma_wait3A_34 = arith.constant 0 : i32
    %dma_wait3A_35 = arith.constant 0 : i32
    %dma_wait3A_36 = tpu.memref_slice %arg6[%dma_wait3A_34, %dma_wait3A_35] : memref<1000000x64xf32, #tpu.memory_space<hbm>> -> memref<1000000x64xf32, #tpu.memory_space<hbm>>
    tpu.wait_indirect_dma semaphore(%arg12 : memref<!tpu.dma_semaphore, #tpu.memory_space<semaphore_mem>>) src(%dma_wait3A_36 : memref<1000000x64xf32, #tpu.memory_space<hbm>>) dst(%arg11 : memref<512x64xf32, #tpu.memory_space<vmem>>)
    "tpu.region"() ({
      %run_scoped3A = tpu.sem_alloc : memref<!tpu.dma_semaphore, #tpu.memory_space<semaphore_mem>>
      %dma_start3A_53 = arith.constant 0 : i32
      %dma_start3A_54 = tpu.memref_slice %arg9[%add3A_30, %dma_start3A_53] : memref<81920x64xf32, #tpu.memory_space<hbm>> -> memref<512x64xf32, #tpu.memory_space<hbm>>
      %dma_start3A_55 = arith.constant 0 : i32
      %dma_start3A_56 = tpu.memref_slice %arg9[%add3A_30, %dma_start3A_55] : memref<81920x64xf32, #tpu.memory_space<hbm>> -> memref<512x64xf32, #tpu.memory_space<hbm>>
      tpu.enqueue_dma source(%arg11 : memref<512x64xf32, #tpu.memory_space<vmem>>) target(%dma_start3A_56 : memref<512x64xf32, #tpu.memory_space<hbm>>) target_semaphore(%run_scoped3A : memref<!tpu.dma_semaphore, #tpu.memory_space<semaphore_mem>>)
      %dma_wait3A_57 = arith.constant 0 : i32
      %dma_wait3A_58 = tpu.memref_slice %arg9[%add3A_30, %dma_wait3A_57] : memref<81920x64xf32, #tpu.memory_space<hbm>> -> memref<512x64xf32, #tpu.memory_space<hbm>>
      %dma_wait3A_59 = arith.constant 0 : i32
      %dma_wait3A_60 = tpu.memref_slice %arg9[%add3A_30, %dma_wait3A_59] : memref<81920x64xf32, #tpu.memory_space<hbm>> -> memref<512x64xf32, #tpu.memory_space<hbm>>
      tpu.wait_dma2 semaphore(%run_scoped3A : memref<!tpu.dma_semaphore, #tpu.memory_space<semaphore_mem>>) src(%arg11 : memref<512x64xf32, #tpu.memory_space<vmem>>) dst(%dma_wait3A_60 : memref<512x64xf32, #tpu.memory_space<hbm>>)
      tpu.yield
    }) : () -> ()
    %add3A_37 = arith.constant 49152 : i32
    %add3A_38 = arith.addi %add3A_37, %mul3A_2 : i32
    "tpu.region"() ({
      %run_scoped3A = tpu.sem_alloc : memref<!tpu.dma_semaphore, #tpu.memory_space<semaphore_mem>>
      %dma_start3A_53 = tpu.memref_slice %arg4[%add3A_38] : memref<81920xi32, #tpu.memory_space<hbm>> -> memref<512xi32, #tpu.memory_space<hbm>>
      %dma_start3A_54 = tpu.memref_slice %arg4[%add3A_38] : memref<81920xi32, #tpu.memory_space<hbm>> -> memref<512xi32, #tpu.memory_space<hbm>>
      tpu.enqueue_dma source(%dma_start3A_54 : memref<512xi32, #tpu.memory_space<hbm>>) target(%arg10 : memref<512xi32, #tpu.memory_space<vmem>>) target_semaphore(%run_scoped3A : memref<!tpu.dma_semaphore, #tpu.memory_space<semaphore_mem>>)
      %dma_wait3A_55 = tpu.memref_slice %arg4[%add3A_38] : memref<81920xi32, #tpu.memory_space<hbm>> -> memref<512xi32, #tpu.memory_space<hbm>>
      %dma_wait3A_56 = tpu.memref_slice %arg4[%add3A_38] : memref<81920xi32, #tpu.memory_space<hbm>> -> memref<512xi32, #tpu.memory_space<hbm>>
      tpu.wait_dma2 semaphore(%run_scoped3A : memref<!tpu.dma_semaphore, #tpu.memory_space<semaphore_mem>>) src(%dma_wait3A_56 : memref<512xi32, #tpu.memory_space<hbm>>) dst(%arg10 : memref<512xi32, #tpu.memory_space<vmem>>)
      tpu.yield
    }) : () -> ()
    %dma_start3A_39 = arith.constant 0 : i32
    %dma_start3A_40 = arith.constant 0 : i32
    %dma_start3A_41 = tpu.memref_slice %arg6[%dma_start3A_39, %dma_start3A_40] : memref<1000000x64xf32, #tpu.memory_space<hbm>> -> memref<1000000x64xf32, #tpu.memory_space<hbm>>
    tpu.enqueue_indirect_dma source(%dma_start3A_41 : memref<1000000x64xf32, #tpu.memory_space<hbm>>) target(%arg11 : memref<512x64xf32, #tpu.memory_space<vmem>>) offsets(%arg10 : memref<512xi32, #tpu.memory_space<vmem>>) semaphore(%arg12 : memref<!tpu.dma_semaphore, #tpu.memory_space<semaphore_mem>>)
    %dma_wait3A_42 = arith.constant 0 : i32
    %dma_wait3A_43 = arith.constant 0 : i32
    %dma_wait3A_44 = tpu.memref_slice %arg6[%dma_wait3A_42, %dma_wait3A_43] : memref<1000000x64xf32, #tpu.memory_space<hbm>> -> memref<1000000x64xf32, #tpu.memory_space<hbm>>
    tpu.wait_indirect_dma semaphore(%arg12 : memref<!tpu.dma_semaphore, #tpu.memory_space<semaphore_mem>>) src(%dma_wait3A_44 : memref<1000000x64xf32, #tpu.memory_space<hbm>>) dst(%arg11 : memref<512x64xf32, #tpu.memory_space<vmem>>)
    "tpu.region"() ({
      %run_scoped3A = tpu.sem_alloc : memref<!tpu.dma_semaphore, #tpu.memory_space<semaphore_mem>>
      %dma_start3A_53 = arith.constant 0 : i32
      %dma_start3A_54 = tpu.memref_slice %arg9[%add3A_38, %dma_start3A_53] : memref<81920x64xf32, #tpu.memory_space<hbm>> -> memref<512x64xf32, #tpu.memory_space<hbm>>
      %dma_start3A_55 = arith.constant 0 : i32
      %dma_start3A_56 = tpu.memref_slice %arg9[%add3A_38, %dma_start3A_55] : memref<81920x64xf32, #tpu.memory_space<hbm>> -> memref<512x64xf32, #tpu.memory_space<hbm>>
      tpu.enqueue_dma source(%arg11 : memref<512x64xf32, #tpu.memory_space<vmem>>) target(%dma_start3A_56 : memref<512x64xf32, #tpu.memory_space<hbm>>) target_semaphore(%run_scoped3A : memref<!tpu.dma_semaphore, #tpu.memory_space<semaphore_mem>>)
      %dma_wait3A_57 = arith.constant 0 : i32
      %dma_wait3A_58 = tpu.memref_slice %arg9[%add3A_38, %dma_wait3A_57] : memref<81920x64xf32, #tpu.memory_space<hbm>> -> memref<512x64xf32, #tpu.memory_space<hbm>>
      %dma_wait3A_59 = arith.constant 0 : i32
      %dma_wait3A_60 = tpu.memref_slice %arg9[%add3A_38, %dma_wait3A_59] : memref<81920x64xf32, #tpu.memory_space<hbm>> -> memref<512x64xf32, #tpu.memory_space<hbm>>
      tpu.wait_dma2 semaphore(%run_scoped3A : memref<!tpu.dma_semaphore, #tpu.memory_space<semaphore_mem>>) src(%arg11 : memref<512x64xf32, #tpu.memory_space<vmem>>) dst(%dma_wait3A_60 : memref<512x64xf32, #tpu.memory_space<hbm>>)
      tpu.yield
    }) : () -> ()
    %add3A_45 = arith.constant 65536 : i32
    %add3A_46 = arith.addi %add3A_45, %mul3A_2 : i32
    "tpu.region"() ({
      %run_scoped3A = tpu.sem_alloc : memref<!tpu.dma_semaphore, #tpu.memory_space<semaphore_mem>>
      %dma_start3A_53 = tpu.memref_slice %arg4[%add3A_46] : memref<81920xi32, #tpu.memory_space<hbm>> -> memref<512xi32, #tpu.memory_space<hbm>>
      %dma_start3A_54 = tpu.memref_slice %arg4[%add3A_46] : memref<81920xi32, #tpu.memory_space<hbm>> -> memref<512xi32, #tpu.memory_space<hbm>>
      tpu.enqueue_dma source(%dma_start3A_54 : memref<512xi32, #tpu.memory_space<hbm>>) target(%arg10 : memref<512xi32, #tpu.memory_space<vmem>>) target_semaphore(%run_scoped3A : memref<!tpu.dma_semaphore, #tpu.memory_space<semaphore_mem>>)
      %dma_wait3A_55 = tpu.memref_slice %arg4[%add3A_46] : memref<81920xi32, #tpu.memory_space<hbm>> -> memref<512xi32, #tpu.memory_space<hbm>>
      %dma_wait3A_56 = tpu.memref_slice %arg4[%add3A_46] : memref<81920xi32, #tpu.memory_space<hbm>> -> memref<512xi32, #tpu.memory_space<hbm>>
      tpu.wait_dma2 semaphore(%run_scoped3A : memref<!tpu.dma_semaphore, #tpu.memory_space<semaphore_mem>>) src(%dma_wait3A_56 : memref<512xi32, #tpu.memory_space<hbm>>) dst(%arg10 : memref<512xi32, #tpu.memory_space<vmem>>)
      tpu.yield
    }) : () -> ()
    %dma_start3A_47 = arith.constant 0 : i32
    %dma_start3A_48 = arith.constant 0 : i32
    %dma_start3A_49 = tpu.memref_slice %arg6[%dma_start3A_47, %dma_start3A_48] : memref<1000000x64xf32, #tpu.memory_space<hbm>> -> memref<1000000x64xf32, #tpu.memory_space<hbm>>
    tpu.enqueue_indirect_dma source(%dma_start3A_49 : memref<1000000x64xf32, #tpu.memory_space<hbm>>) target(%arg11 : memref<512x64xf32, #tpu.memory_space<vmem>>) offsets(%arg10 : memref<512xi32, #tpu.memory_space<vmem>>) semaphore(%arg12 : memref<!tpu.dma_semaphore, #tpu.memory_space<semaphore_mem>>)
    %dma_wait3A_50 = arith.constant 0 : i32
    %dma_wait3A_51 = arith.constant 0 : i32
    %dma_wait3A_52 = tpu.memref_slice %arg6[%dma_wait3A_50, %dma_wait3A_51] : memref<1000000x64xf32, #tpu.memory_space<hbm>> -> memref<1000000x64xf32, #tpu.memory_space<hbm>>
    tpu.wait_indirect_dma semaphore(%arg12 : memref<!tpu.dma_semaphore, #tpu.memory_space<semaphore_mem>>) src(%dma_wait3A_52 : memref<1000000x64xf32, #tpu.memory_space<hbm>>) dst(%arg11 : memref<512x64xf32, #tpu.memory_space<vmem>>)
    "tpu.region"() ({
      %run_scoped3A = tpu.sem_alloc : memref<!tpu.dma_semaphore, #tpu.memory_space<semaphore_mem>>
      %dma_start3A_53 = arith.constant 0 : i32
      %dma_start3A_54 = tpu.memref_slice %arg9[%add3A_46, %dma_start3A_53] : memref<81920x64xf32, #tpu.memory_space<hbm>> -> memref<512x64xf32, #tpu.memory_space<hbm>>
      %dma_start3A_55 = arith.constant 0 : i32
      %dma_start3A_56 = tpu.memref_slice %arg9[%add3A_46, %dma_start3A_55] : memref<81920x64xf32, #tpu.memory_space<hbm>> -> memref<512x64xf32, #tpu.memory_space<hbm>>
      tpu.enqueue_dma source(%arg11 : memref<512x64xf32, #tpu.memory_space<vmem>>) target(%dma_start3A_56 : memref<512x64xf32, #tpu.memory_space<hbm>>) target_semaphore(%run_scoped3A : memref<!tpu.dma_semaphore, #tpu.memory_space<semaphore_mem>>)
      %dma_wait3A_57 = arith.constant 0 : i32
      %dma_wait3A_58 = tpu.memref_slice %arg9[%add3A_46, %dma_wait3A_57] : memref<81920x64xf32, #tpu.memory_space<hbm>> -> memref<512x64xf32, #tpu.memory_space<hbm>>
      %dma_wait3A_59 = arith.constant 0 : i32
      %dma_wait3A_60 = tpu.memref_slice %arg9[%add3A_46, %dma_wait3A_59] : memref<81920x64xf32, #tpu.memory_space<hbm>> -> memref<512x64xf32, #tpu.memory_space<hbm>>
      tpu.wait_dma2 semaphore(%run_scoped3A : memref<!tpu.dma_semaphore, #tpu.memory_space<semaphore_mem>>) src(%arg11 : memref<512x64xf32, #tpu.memory_space<vmem>>) dst(%dma_wait3A_60 : memref<512x64xf32, #tpu.memory_space<hbm>>)
      tpu.yield
    }) : () -> ()
    return
  }
}

module attributes {stable_mosaic.version = 14 : i64} {
  func.func @_tc_loss_body(%arg0: i32, %arg1: memref<2048x64xf32, #tpu.memory_space<vmem>>, %arg2: memref<2048x64xf32, #tpu.memory_space<vmem>>, %arg3: memref<5x2048x64xf32, #tpu.memory_space<vmem>>, %arg4: memref<1x1xf32, #tpu.memory_space<smem>>) attributes {dimension_semantics = [#tpu.dimension_semantics<arbitrary>], iteration_bounds = array<i64: 8>, scalar_prefetch = 0 : i64, scratch_operands = 0 : i64, tpu.core_type = #tpu.core_type<tc>, window_params = [{transform_indices = @transform_0, window_bounds = array<i64: 2048, 64>}, {transform_indices = @transform_1, window_bounds = array<i64: 2048, 64>}, {transform_indices = @transform_2, window_bounds = array<i64: 5, 2048, 64>}, {transform_indices = @transform_3, window_bounds = array<i64: 1, 1>}]} {
    %get3A = arith.constant 0 : index
    %get3A_0 = arith.constant 0 : index
    %get3A_1 = vector.load %arg1[%get3A, %get3A_0] : memref<2048x64xf32, #tpu.memory_space<vmem>>, vector<2048x64xf32>
    %get3A_2 = arith.constant 0 : index
    %get3A_3 = arith.constant 0 : index
    %get3A_4 = vector.load %arg2[%get3A_2, %get3A_3] : memref<2048x64xf32, #tpu.memory_space<vmem>>, vector<2048x64xf32>
    %mul3A = arith.mulf %get3A_1, %get3A_4 : vector<2048x64xf32>
    %reduce_sum3A = arith.constant dense<0.000000e+00> : vector<2048xf32>
    %reduce_sum3A_5 = vector.multi_reduction <add>, %mul3A, %reduce_sum3A [1] : vector<2048x64xf32> to vector<2048xf32>
    %jit3A = arith.constant -1.000000e+01 : f32
    %jit3A_6 = arith.constant 1.000000e+01 : f32
    %max3A = vector.broadcast %jit3A : f32 to vector<2048xf32>
    %max3A_7 = arith.maximumf %max3A, %reduce_sum3A_5 : vector<2048xf32>
    %min3A = vector.broadcast %jit3A_6 : f32 to vector<2048xf32>
    %min3A_8 = arith.minimumf %min3A, %max3A_7 : vector<2048xf32>
    %min3A_9 = arith.constant 0.000000e+00 : f32
    %min3A_10 = vector.broadcast %min3A_9 : f32 to vector<2048xf32>
    %min3A_11 = arith.minimumf %min3A_8, %min3A_10 : vector<2048xf32>
    %abs3A = math.absf %min3A_8 : vector<2048xf32>
    %neg3A = arith.constant 0.000000e+00 : f32
    %neg3A_12 = vector.broadcast %neg3A : f32 to vector<2048xf32>
    %neg3A_13 = arith.subf %neg3A_12, %abs3A : vector<2048xf32>
    %exp3A = math.exp %neg3A_13 : vector<2048xf32>
    %add3A = arith.constant 1.000000e+00 : f32
    %add3A_14 = vector.broadcast %add3A : f32 to vector<2048xf32>
    %add3A_15 = arith.addf %add3A_14, %exp3A : vector<2048xf32>
    %log3A = math.log %add3A_15 : vector<2048xf32>
    %sub3A = arith.subf %min3A_11, %log3A : vector<2048xf32>
    %reduce_sum3A_16 = vector.shape_cast %sub3A : vector<2048xf32> to vector<1x2048xf32>
    %reduce_sum3A_17 = arith.constant dense<0.000000e+00> : vector<1xf32>
    %reduce_sum3A_18 = vector.multi_reduction <add>, %reduce_sum3A_16, %reduce_sum3A_17 [1] : vector<1x2048xf32> to vector<1xf32>
    %reduce_sum3A_19 = vector.shape_cast %reduce_sum3A_18 : vector<1xf32> to vector<1x1xf32>
    %reduce_sum3A_20 = vector.extract %reduce_sum3A_19[0, 0] : f32 from vector<1x1xf32>
    %get3A_21 = arith.constant 0 : index
    %get3A_22 = arith.constant 0 : index
    %get3A_23 = arith.constant 0 : index
    %get3A_24 = vector.load %arg3[%get3A_21, %get3A_22, %get3A_23] : memref<5x2048x64xf32, #tpu.memory_space<vmem>>, vector<5x2048x64xf32>
    %broadcast_in_dim3A = vector.shape_cast %get3A_1 : vector<2048x64xf32> to vector<1x2048x64xf32>
    %mul3A_25 = vector.broadcast %broadcast_in_dim3A : vector<1x2048x64xf32> to vector<5x2048x64xf32>
    %mul3A_26 = arith.mulf %get3A_24, %mul3A_25 : vector<5x2048x64xf32>
    %reduce_sum3A_27 = arith.constant dense<0.000000e+00> : vector<5x2048xf32>
    %reduce_sum3A_28 = vector.multi_reduction <add>, %mul3A_26, %reduce_sum3A_27 [2] : vector<5x2048x64xf32> to vector<5x2048xf32>
    %jit3A_29 = arith.constant -1.000000e+01 : f32
    %jit3A_30 = arith.constant 1.000000e+01 : f32
    %max3A_31 = vector.broadcast %jit3A_29 : f32 to vector<5x2048xf32>
    %max3A_32 = arith.maximumf %max3A_31, %reduce_sum3A_28 : vector<5x2048xf32>
    %min3A_33 = vector.broadcast %jit3A_30 : f32 to vector<5x2048xf32>
    %min3A_34 = arith.minimumf %min3A_33, %max3A_32 : vector<5x2048xf32>
    %neg3A_35 = arith.constant 0.000000e+00 : f32
    %neg3A_36 = vector.broadcast %neg3A_35 : f32 to vector<5x2048xf32>
    %neg3A_37 = arith.subf %neg3A_36, %min3A_34 : vector<5x2048xf32>
    %min3A_38 = arith.constant 0.000000e+00 : f32
    %min3A_39 = vector.broadcast %min3A_38 : f32 to vector<5x2048xf32>
    %min3A_40 = arith.minimumf %neg3A_37, %min3A_39 : vector<5x2048xf32>
    %abs3A_41 = math.absf %neg3A_37 : vector<5x2048xf32>
    %neg3A_42 = arith.constant 0.000000e+00 : f32
    %neg3A_43 = vector.broadcast %neg3A_42 : f32 to vector<5x2048xf32>
    %neg3A_44 = arith.subf %neg3A_43, %abs3A_41 : vector<5x2048xf32>
    %exp3A_45 = math.exp %neg3A_44 : vector<5x2048xf32>
    %add3A_46 = arith.constant 1.000000e+00 : f32
    %add3A_47 = vector.broadcast %add3A_46 : f32 to vector<5x2048xf32>
    %add3A_48 = arith.addf %add3A_47, %exp3A_45 : vector<5x2048xf32>
    %log3A_49 = math.log %add3A_48 : vector<5x2048xf32>
    %sub3A_50 = arith.subf %min3A_40, %log3A_49 : vector<5x2048xf32>
    %reduce_sum3A_51 = vector.shape_cast %sub3A_50 : vector<5x2048xf32> to vector<1x5x2048xf32>
    %reduce_sum3A_52 = arith.constant dense<0.000000e+00> : vector<1xf32>
    %reduce_sum3A_53 = vector.multi_reduction <add>, %reduce_sum3A_51, %reduce_sum3A_52 [1, 2] : vector<1x5x2048xf32> to vector<1xf32>
    %reduce_sum3A_54 = vector.shape_cast %reduce_sum3A_53 : vector<1xf32> to vector<1x1x1xf32>
    %reduce_sum3A_55 = vector.extract %reduce_sum3A_54[0, 0, 0] : f32 from vector<1x1x1xf32>
    %add3A_56 = arith.addf %reduce_sum3A_20, %reduce_sum3A_55 : f32
    %eq3A = arith.constant 0 : i32
    %eq3A_57 = arith.cmpi eq, %arg0, %eq3A : i32
    %convert_element_type3A = arith.extui %eq3A_57 : i1 to i32
    %cond3A = arith.constant 0 : i32
    %cond3A_58 = arith.cmpi ne, %convert_element_type3A, %cond3A : i32
    scf.if %cond3A_58 {
      %swap3A_67 = arith.constant 0.000000e+00 : f32
      %swap3A_68 = arith.constant 0 : index
      %swap3A_69 = arith.constant 0 : index
      %swap3A_70 = memref.load %arg4[%swap3A_68, %swap3A_69] : memref<1x1xf32, #tpu.memory_space<smem>>
      memref.store %swap3A_67, %arg4[%swap3A_68, %swap3A_69] : memref<1x1xf32, #tpu.memory_space<smem>>
    } else {
    }
    %get3A_59 = arith.constant 0 : index
    %get3A_60 = arith.constant 0 : index
    %get3A_61 = memref.load %arg4[%get3A_59, %get3A_60] : memref<1x1xf32, #tpu.memory_space<smem>>
    %neg3A_62 = arith.constant 0.000000e+00 : f32
    %neg3A_63 = arith.subf %neg3A_62, %add3A_56 : f32
    %add3A_64 = arith.addf %get3A_61, %neg3A_63 : f32
    %swap3A = arith.constant 0 : index
    %swap3A_65 = arith.constant 0 : index
    %swap3A_66 = memref.load %arg4[%swap3A, %swap3A_65] : memref<1x1xf32, #tpu.memory_space<smem>>
    memref.store %add3A_64, %arg4[%swap3A, %swap3A_65] : memref<1x1xf32, #tpu.memory_space<smem>>
    return
  }
  func.func @transform_0(%arg0: i32) -> (i32, i32) {
    %c0_i32 = arith.constant 0 : i32
    %c0_i32_0 = arith.constant 0 : i32
    return %arg0, %c0_i32 : i32, i32
  }
  func.func @transform_1(%arg0: i32) -> (i32, i32) {
    %c0_i32 = arith.constant 0 : i32
    %c0_i32_0 = arith.constant 0 : i32
    return %arg0, %c0_i32 : i32, i32
  }
  func.func @transform_2(%arg0: i32) -> (i32, i32, i32) {
    %c0_i32 = arith.constant 0 : i32
    %c0_i32_0 = arith.constant 0 : i32
    %c0_i32_1 = arith.constant 0 : i32
    return %c0_i32, %arg0, %c0_i32_0 : i32, i32, i32
  }
  func.func @transform_3(%arg0: i32) -> (i32, i32) {
    %c0_i32 = arith.constant 0 : i32
    %c0_i32_0 = arith.constant 0 : i32
    %c0_i32_1 = arith.constant 0 : i32
    return %c0_i32, %c0_i32_0 : i32, i32
  }
}

</mosaic_0001>

<sc_bundles>
// kernel: kernel.4.cloned.1.call-start
scs
__scs_entry_jumppad:
0x0: {  	(pc) =	sbr.rel $0x88, $3  }
0x1: {  	(tag) =	ssettag $0x0;
	lr =	simm.s32 $0x1  }
0x2: {  	[smem:$0x3F9C] =	sst lr;
	_ =	strace $0xD0000000  }
0x3: {  	_ = 	snop  }
0x4: {  	_ = 	snop  }
0x5: {  	_ = 	snop  }
0x6: {  	_ = 	snop  }
0x7: {  	_ = 	snop  }
__scs_overlays_trampoline_lowered:
0x8: {  	[smem:$0x3FAB] =	sst s0  }
0x9: {  	[smem:$0x3FAC] =	sst s1  }
0xa: {  	[smem:$0x3FAD] =	sst s2  }
0xb: {  	[smem:$0x3FAE] =	sst s3  }
0xc: {  	[smem:$0x3FAF] =	sst s4  }
0xd: {  	[smem:$0x3FB0] =	sst s5  }
0xe: {  	[smem:$0x3FB1] =	sst s6  }
0xf: {  	[smem:$0x3FB2] =	sst s7  }
0x10: {  	[smem:$0x3FB3] =	sst s8  }
0x11: {  	[smem:$0x3FB4] =	sst s9;
	s0 =	simm.s32 @!p0 $0x0  }
0x12: {  	s1 =	sld [smem:$0x3F9A];
	s0 =	simm.s32 @p0 $0x1  }
0x13: {  	[smem:$0x3FB5] =	sst s0;
	s0 =	simm.s32 @!p1 $0x0  }
0x14: {  	s2 =	sld [smem:$0x3F99];
	s0 =	simm.s32 @p1 $0x1  }
0x15: {  	[smem:$0x3FB6] =	sst s0;
	s0 =	simm.s32 @!p2 $0x0  }
0x16: {  	s3 =	sld [smem:$0x3FDB];
	s0 =	simm.s32 @p2 $0x1  }
0x17: {  	s4 =	simm.s32 $0x1BF5;
	[smem:$0x3FB8] =	sst s0  }
0x18: {  	s0 =	sld [smem:$0x3F9B];
	_ =	swait.ge [sflag:s4], $0x0  }
0x19: {  	s7 =	sld [smem:$0x3F9C]  }
0x1a: {  	s8 =	sadd.s32 $0xFFFFE003, lr  }
0x1b: {  	s9 =	sadd.s32 $0xFFFFFEF7, lr;
	s5 =	simm.s32 $0xFFFFFFFF;
	p2 =	slt.u32 s8, $0xFFFFF086  }
0x1c: {  	p1 =	slt.u32 s9, $0xF7A;
	s5 =	simm.s32 @!p2 $0x0  }
0x1d: {  	s5 =	simm.s32 @p1 $0x1;
	p0 =	seq.s32 s7, s2  }
0x1e: {  	s7 =	smul.u32 @!p0 $0xF7A, s2;
	p2 =	seq.s32 @!p0 s5, $0x0  }
0x1f: {  	s9 =	smul.u32 $0xF7A, s1;
	s8 =	simm.s32 @!p0 $0x1BF5;
	p2 =	por !p2, p0  }
0x20: {  	[sflag:s8] =	ssyncset.s32 @!p0 $0xFFFFF086;
	s6 =	sadd.s32 @!p0 s3, s7;
	s7 =	simm.s32 @!p0 $0x108  }
0x21: {  	s3 =	sadd.s32 s3, s9;
	s6 =	sadd.s32 @!p0 $0x88, s6;
	s7 =	simm.s32 @p2 $0x1082  }
0x22: {  	[simem:s7], [sflag:s8] =	dma.local @!p0 [hbm:s6], $0xF7A  }
0x23: {  	s9 =	sor.u32 $0xD0000000, s2;
	s6 =	simm.s32 $0x108;
	_ =	swait.ge @!p0 [sflag:s8], $0x0  }
0x24: {  	s3 =	sadd.s32 $0x88, s3;
	s6 =	simm.s32 @!p1 $0x1082;
	[sflag:s4] =	ssyncset.s32 $0xFFFFF086  }
0x25: {  	[simem:s6], [sflag:s4] =	dma.local [hbm:s3], $0xF7A  }
0x26: {  	[smem:$0x3F9C] =	sst s1;
	(tag) =	ssettag s2;
	_ =	strace s9  }
0x27: {  	s1 =	sld [smem:$0x3FAC]  }
0x28: {  	s2 =	sld [smem:$0x3FAD]  }
0x29: {  	s4 =	sld [smem:$0x3FAF]  }
0x2a: {  	p0 =	seq.s32 s5, $0x0;
	s5 =	sld [smem:$0x3FB0]  }
0x2b: {  	s6 =	sld [smem:$0x3FB1]  }
0x2c: {  	s7 =	sld [smem:$0x3FB2]  }
0x2d: {  	s3 =	simm.s32 $0x108;
	s8 =	sld [smem:$0x3FB3]  }
0x2e: {  	s3 =	simm.s32 @!p0 $0x1082;
	s9 =	sld [smem:$0x3FB4]  }
0x2f: {  	lr =	sadd.s32 s0, s3;
	s0 =	sld [smem:$0x3FAB]  }
0x30: {  	s3 =	sld [smem:$0x3FAE]  }
0x31: {  	[smem:$0x3FB7] =	sst s10  }
0x32: {  	s10 =	sld [smem:$0x3FB5];
	_ =	sdelay $0x3  }
0x33: {  	p0 =	seq.s32 s10, $0x1;
	s10 =	sld [smem:$0x3FB7];
	_ =	sdelay $0x3  }
0x34: {  	[smem:$0x3FB7] =	sst s10  }
0x35: {  	s10 =	sld [smem:$0x3FB6];
	_ =	sdelay $0x3  }
0x36: {  	p1 =	seq.s32 s10, $0x1;
	s10 =	sld [smem:$0x3FB7];
	_ =	sdelay $0x3  }
0x37: {  	[smem:$0x3FB7] =	sst s10  }
0x38: {  	s10 =	sld [smem:$0x3FB8]  }
0x39: {  	_ = 	snop;
	(pc) =	sbr.ind lr, $3  }
0x3a: {  	_ = 	snop  }
0x3b: {  	_ = 	snop  }
0x3c: {  	p2 =	seq.s32 s10, $0x1;
	s10 =	sld [smem:$0x3FB7]  }
0x3d: {  	_ =	shalt  }
0x3e: {  	_ =	shalt  }
0x3f: {  	_ =	shalt  }
0x40: {  	_ =	shalt  }
0x41: {  	_ =	shalt  }
0x42: {  	_ =	shalt  }
0x43: {  	_ =	shalt  }
0x44: {  	_ =	shalt  }
0x45: {  	_ =	shalt  }
0x46: {  	_ =	shalt  }
0x47: {  	_ =	shalt  }
0x48: {  	_ =	shalt  }
0x49: {  	_ =	shalt  }
0x4a: {  	_ =	shalt  }
0x4b: {  	_ =	shalt  }
0x4c: {  	_ =	shalt  }
0x4d: {  	_ =	shalt  }
0x4e: {  	_ =	shalt  }
0x4f: {  	_ =	shalt  }
0x50: {  	_ =	shalt  }
0x51: {  	_ =	shalt  }
0x52: {  	_ =	shalt  }
0x53: {  	_ =	shalt  }
0x54: {  	_ =	shalt  }
0x55: {  	_ =	shalt  }
0x56: {  	_ =	shalt  }
0x57: {  	_ =	shalt  }
0x58: {  	_ =	shalt  }
0x59: {  	_ =	shalt  }
0x5a: {  	_ =	shalt  }
0x5b: {  	_ =	shalt  }
0x5c: {  	_ =	shalt  }
0x5d: {  	_ =	shalt  }
0x5e: {  	_ =	shalt  }
0x5f: {  	_ =	shalt  }
0x60: {  	_ =	shalt  }
0x61: {  	_ =	shalt  }
0x62: {  	_ =	shalt  }
0x63: {  	_ =	shalt  }
0x64: {  	_ =	shalt  }
0x65: {  	_ =	shalt  }
0x66: {  	_ =	shalt  }
0x67: {  	_ =	shalt  }
0x68: {  	_ =	shalt  }
0x69: {  	_ =	shalt  }
0x6a: {  	_ =	shalt  }
0x6b: {  	_ =	shalt  }
0x6c: {  	_ =	shalt  }
0x6d: {  	_ =	shalt  }
0x6e: {  	_ =	shalt  }
0x6f: {  	_ =	shalt  }
0x70: {  	_ =	shalt  }
0x71: {  	_ =	shalt  }
0x72: {  	_ =	shalt  }
0x73: {  	_ =	shalt  }
0x74: {  	_ =	shalt  }
0x75: {  	_ =	shalt  }
0x76: {  	_ =	shalt  }
0x77: {  	_ =	shalt  }
0x78: {  	_ =	shalt  }
0x79: {  	_ =	shalt  }
0x7a: {  	_ =	shalt  }
0x7b: {  	_ =	shalt  }
0x7c: {  	_ =	shalt  }
0x7d: {  	_ =	shalt  }
0x7e: {  	_ =	shalt  }
0x7f: {  	_ =	shalt  }
0x80: {  	_ =	shalt  }
0x81: {  	_ =	shalt  }
0x82: {  	_ =	shalt  }
0x83: {  	_ =	shalt  }
0x84: {  	_ =	shalt  }
0x85: {  	_ =	shalt  }
0x86: {  	_ =	shalt  }
0x87: {  	_ =	shalt  }
.Lfunc_end0:
.L_simem_size_0:
called_computation_lowered:
.L_overlay_start_0:
0x88: {  	s2 =	sld [smem:$0x3FD9]  }
0x89: {  	s3 =	sld [smem:$0x3FFE];
	_ =	sdelay $0x1  }
0x8a: {  	s1 =	srdreg.scid  }
0x8b: {  	s0 =	sand.u32 $0x1, s1  }
0x8c: {  	s17 =	sshll.u32 s0, $0xA;
	s2 =	sadd.s32 s3, s2  }
0x8d: {  	s2 =	sadd.s32 s2, s17  }
0x8e: {  	[smem:$0x3FC3] =	sst s2  }
0x8f: {  	_ = 	snop  }
0x90: {  	s2 =	sld [smem:$0x3FC9]  }
0x91: {  	s18 =	sld [smem:$0x3FC8];
	(tm) =	ssettm $0x1  }
0x92: {  	s4 =	sld [smem:$0x3FFB];
	_ =	sdelay $0x3  }
0x93: {  	_ =	strace s4  }
0x94: {  	s4 =	sld [smem:$0x3FFC];
	_ =	sdelay $0x3  }
0x95: {  	_ =	strace s4  }
0x96: {  	s4 =	sld [smem:$0x3FFD];
	_ =	sdelay $0x3  }
0x97: {  	_ =	strace s4  }
0x98: {  	_ =	strace $0x8FFFFFFF  }
0x99: {  	s19 =	sld [smem:$0x3FDB];
	_ =	sdelay $0x1  }
0x9a: {  	s5 =	simm.s32 $_scs_section_size  }
0x9b: {  	s6 =	simm.s32 $_size__tile_overlayer_lowered;
	s7 =	simm.s32 $_tile_overlayer_lowered  }
0x9c: {  	s22 =	simm.s32 $0x1BFF;
	s21 =	sshll.u32 s7, $0x1;
	s4 =	sadd.s32 s5, s19  }
0x9d: {  	s8 =	simm.s32 $0x0;
	s20 =	sshll.u32 s6, $0x1;
	s6 =	sadd.s32 s21, s4  }
0x9e: {  	[timem:s8], [sflag:s22] =	dma.local [hbm:s6], s20  }
0x9f: {  	_ =	swait.ge [sflag:s22], s20  }
0xa0: {  	s5 =	ssub.s32 $0x0, s20;
	[sflag:s22] =	ssyncset.done $0x0  }
0xa1: {  	[sflag:s22] =	ssyncadd.s32 s5;
	_ =	sdelay $0x1  }
0xa2: {  	s23 =	simm.s32 $0x1B8B  }
0xa3: {  	_ =	swait.ge [sflag:s23], $0x1  }
0xa4: {  	[sflag:s23] =	ssyncset.done $0x0  }
0xa5: {  	s25 =	simm.s32 $0x1B8E;
	s24 =	sld [smem:$0x3FFE];
	[sflag:s23] =	ssyncadd.s32 $0xFFFFFFFF  }
0xa6: {  	s26 =	simm.s32 $execute0_lowered;
	[smem:$0x3FD2] =	sst s25  }
0xa7: {  	s6 =	sshll.u32 s26, $0x1;
	_ =	strace $0x80000046;
	[dreg:$0x1] =	wrdreg $0xFFFFFFFF  }
0xa8: {  	s28 =	simm.s32 $_size_execute0_lowered;
	s4 =	sadd.s32 s4, s6;
	[dreg:$0x0] =	wrdreg $0x0  }
0xa9: {  	s6 =	sshll.u32 s28, $0x1;
	[dreg:$0x2] =	wrdreg s4  }
0xaa: {  	[dreg:$0x3] =	wrdreg s6  }
0xab: {  	[dreg:$0x4] =	wrdreg $0xC0  }
0xac: {  	_ =	task [dreg:s8], $0x5FFFF  }
0xad: {  	[dreg:$0x1] =	wrdreg $0xFFFFFFFF  }
0xae: {  	[dreg:$0x0] =	wrdreg $0x60  }
0xaf: {  	[dreg:$0x2] =	wrdreg s2  }
0xb0: {  	[dreg:$0x3] =	wrdreg s18  }
0xb1: {  	[dreg:$0x4] =	wrdreg s24  }
0xb2: {  	[dreg:$0x5] =	wrdreg $0x9  }
0xb3: {  	_ =	task.clear_ibuf [dreg:s8], $0x6FFFF;
	_ =	strace $0x90000046  }
0xb4: {  	s29 =	simm.s32 $0x9;
	_ =	strace $0x80000048  }
0xb5: {  	_ =	swait.ge [sflag:s29], $0x1  }
0xb6: {  	[sflag:s29] =	ssyncadd.s32 $0xFFFFFFFF  }
0xb7: {  	_ =	strace $0x90000048  }
0xb8: {  	_ =	sfence  }
0xb9: {  	s30 =	sld [smem:$0x0];
	_ =	sdelay $0x2  }
0xba: {  	s31 =	sshll.u32 s1, $0xD;
	s1 =	sshrl.u32 s1, $0x2  }
0xbb: {  	s3 =	sand.u32 $0x4000, s31;
	s1 =	sadd.s32 s1, s30  }
0xbc: {  	s0 =	sor.u32 s3, s0;
	s1 =	sshll.u32 s1, $0x11  }
0xbd: {  	s0 =	sor.u32 s1, s0  }
0xbe: {  	s0 =	sadd.s32 $0x8F2B, s0  }
0xbf: {  	[sflag:s0] =	ssyncadd.remote.s32 $0x1  }
0xc0: {  	_ =	sfence.sel $0xFFFF  }
0xc1: {  	[dreg:$0x0] =	wrdreg $0xFFFFFFFF;
	(pc) =	sbr.abs _section_cstart, $3  }
0xc2: {  	[dreg:$0x1] =	wrdreg $0xFFFFFFFF  }
0xc3: {  	_ =	task.clear_ibuf [dreg:s8], $0x2FFFF;
	_ =	strace $0x9FFFFFFF  }
0xc4: {  	(tm) =	ssettm $0x7FFFFFFF  }
0xc5: {  	_ =	shalt  }
tec
execute0_lowered:
.L_overlay_start_1:
0x0: {  	(tag) =	ssettag $0x1  }
0x1: {  	s3 =	rddreg [dreg:$0x0];
	s1 =	srdreg.scid  }
0x2: {  	s9 =	rddreg [dreg:$0x1];
	s0 =	stileid.u32;
	s21 =	sand.u32 $0x1, s1  }
0x3: {  	s13 =	rddreg [dreg:$0x2];
	s4 =	sshll.u32 s0, $0xA;
	s5 =	sshll.u32 s21, $0x9  }
0x4: {  	s2 =	simm.s32 $0x0;
	s1 =	rddreg [dreg:$0x3];
	s20 =	sor.u32 s5, s4  }
0x5: {  	[smem:$0x7FF] =	sst s2;
	s12 =	sshrl.u32 s20, $0x3  }
0x6: {  	_ =	strace $0x80000047;
	s4 =	sadd.s32 s3, s12;
	s3 =	simm.s32 $0x2  }
0x7: {  	[tilespmem:s2], [sflag:$0x2] =	stream.linear.gather [hbm4b:s4+s2], $0x200, $0x38;
	[tilespmem:$0x8200] =	vst v63  }
0x8: {  	_ =	swait.ge [sflag:s3], $0x200  }
0x9: {  	s6 =	simm.s32 $0x200;
	[sflag:s3] =	ssyncset.done $0x0  }
0xa: {  	s7 =	simm.s32 $0x1;
	s5 =	sadd.s32 $0x16E4000, s13;
	[sflag:s3] =	ssyncadd.s32 $0xFFFFFE00  }
0xb: {  	[tilespmem:s6], [sflag:$0x1] =	stream.indirect.gather [hbm4b:s5+s6], $0x40, s2, s6, $0xb8;
	[tilespmem:$0x8200] =	vst v63  }
0xc: {  	s14 =	sshll.u32 s20, $0x3;
	_ =	swait.ge [sflag:s7], $0x8000  }
0xd: {  	s11 =	sadd.s32 s14, s13;
	[sflag:s7] =	ssyncset.done $0x0  }
0xe: {  	s8 =	sadd.s32 $0xC3200, s11;
	[sflag:s7] =	ssyncadd.s32 $0xFFFF8000  }
0xf: {  	[hbm4b:s8+s2] =	stream.linear.scatter [tilespmem:s6], [sflag:$0x2], $0x8000, $0x38;
	[tilespmem:$0x8200] =	vst v63  }
0x10: {  	_ =	swait.ge [sflag:s3], $0x8000  }
0x11: {  	[sflag:s3] =	ssyncset.done $0x0  }
0x12: {  	s9 =	sadd.s32 s9, s12;
	[sflag:s3] =	ssyncadd.s32 $0xFFFF8000  }
0x13: {  	[tilespmem:s2], [sflag:$0x2] =	stream.linear.gather [hbm4b:s9+s2], $0x200, $0x38;
	[tilespmem:$0x8200] =	vst v63  }
0x14: {  	_ =	swait.ge [sflag:s3], $0x200  }
0x15: {  	[sflag:s3] =	ssyncset.done $0x0  }
0x16: {  	s10 =	sadd.s32 $0xF42E00, s13;
	[sflag:s3] =	ssyncadd.s32 $0xFFFFFE00  }
0x17: {  	[tilespmem:s6], [sflag:$0x1] =	stream.indirect.gather [hbm4b:s10+s6], $0x40, s2, s6, $0xb8;
	[tilespmem:$0x8200] =	vst v63  }
0x18: {  	_ =	swait.ge [sflag:s7], $0x8000  }
0x19: {  	[sflag:s7] =	ssyncset.done $0x0  }
0x1a: {  	s11 =	sadd.s32 $0xA3200, s11;
	[sflag:s7] =	ssyncadd.s32 $0xFFFF8000  }
0x1b: {  	[hbm4b:s11+s2] =	stream.linear.scatter [tilespmem:s6], [sflag:$0x2], $0x8000, $0x38;
	[tilespmem:$0x8200] =	vst v63  }
0x1c: {  	_ =	swait.ge [sflag:s3], $0x8000  }
0x1d: {  	s23 =	sadd.s32 $0xA00, s13;
	[sflag:s3] =	ssyncset.done $0x0  }
0x1e: {  	s12 =	sadd.s32 s23, s12;
	[sflag:s3] =	ssyncadd.s32 $0xFFFF8000  }
0x1f: {  	[tilespmem:s2], [sflag:$0x2] =	stream.linear.gather [hbm4b:s12+s2], $0x200, $0x38;
	[tilespmem:$0x8200] =	vst v63  }
0x20: {  	_ =	swait.ge [sflag:s3], $0x200  }
0x21: {  	[sflag:s3] =	ssyncset.done $0x0  }
0x22: {  	[sflag:s3] =	ssyncadd.s32 $0xFFFFFE00  }
0x23: {  	[tilespmem:s6], [sflag:$0x1] =	stream.indirect.gather [hbm4b:s10+s6], $0x40, s2, s6, $0xb8;
	[tilespmem:$0x8200] =	vst v63  }
0x24: {  	_ =	swait.ge [sflag:s7], $0x8000  }
0x25: {  	s22 =	sadd.s32 $0x3200, s13;
	[sflag:s7] =	ssyncset.done $0x0  }
0x26: {  	s13 =	sadd.s32 s22, s14;
	[sflag:s7] =	ssyncadd.s32 $0xFFFF8000  }
0x27: {  	[hbm4b:s13+s2] =	stream.linear.scatter [tilespmem:s6], [sflag:$0x2], $0x8000, $0x38;
	[tilespmem:$0x8200] =	vst v63  }
0x28: {  	s15 =	sor.u32 $0x4000, s20;
	_ =	swait.ge [sflag:s3], $0x8000  }
0x29: {  	s28 =	sshrl.u32 s15, $0x3;
	[sflag:s3] =	ssyncset.done $0x0  }
0x2a: {  	s14 =	sadd.s32 s23, s28;
	[sflag:s3] =	ssyncadd.s32 $0xFFFF8000  }
0x2b: {  	[tilespmem:s2], [sflag:$0x2] =	stream.linear.gather [hbm4b:s14+s2], $0x200, $0x38;
	[tilespmem:$0x8200] =	vst v63  }
0x2c: {  	_ =	swait.ge [sflag:s3], $0x200  }
0x2d: {  	[sflag:s3] =	ssyncset.done $0x0  }
0x2e: {  	[sflag:s3] =	ssyncadd.s32 $0xFFFFFE00  }
0x2f: {  	[tilespmem:s6], [sflag:$0x1] =	stream.indirect.gather [hbm4b:s10+s6], $0x40, s2, s6, $0xb8;
	[tilespmem:$0x8200] =	vst v63  }
0x30: {  	_ =	swait.ge [sflag:s7], $0x8000  }
0x31: {  	s15 =	sshll.u32 s15, $0x3;
	[sflag:s7] =	ssyncset.done $0x0  }
0x32: {  	s15 =	sadd.s32 s22, s15;
	[sflag:s7] =	ssyncadd.s32 $0xFFFF8000  }
0x33: {  	[hbm4b:s15+s2] =	stream.linear.scatter [tilespmem:s6], [sflag:$0x2], $0x8000, $0x38;
	[tilespmem:$0x8200] =	vst v63  }
0x34: {  	s17 =	sor.u32 $0x8000, s20;
	_ =	swait.ge [sflag:s3], $0x8000  }
0x35: {  	s16 =	sshrl.u32 s17, $0x3;
	[sflag:s3] =	ssyncset.done $0x0  }
0x36: {  	s16 =	sadd.s32 s23, s16;
	[sflag:s3] =	ssyncadd.s32 $0xFFFF8000  }
0x37: {  	[tilespmem:s2], [sflag:$0x2] =	stream.linear.gather [hbm4b:s16+s2], $0x200, $0x38;
	[tilespmem:$0x8200] =	vst v63  }
0x38: {  	_ =	swait.ge [sflag:s3], $0x200  }
0x39: {  	[sflag:s3] =	ssyncset.done $0x0  }
0x3a: {  	[sflag:s3] =	ssyncadd.s32 $0xFFFFFE00  }
0x3b: {  	[tilespmem:s6], [sflag:$0x1] =	stream.indirect.gather [hbm4b:s10+s6], $0x40, s2, s6, $0xb8;
	[tilespmem:$0x8200] =	vst v63  }
0x3c: {  	_ =	swait.ge [sflag:s7], $0x8000  }
0x3d: {  	s17 =	sshll.u32 s17, $0x3;
	[sflag:s7] =	ssyncset.done $0x0  }
0x3e: {  	s17 =	sadd.s32 s22, s17;
	[sflag:s7] =	ssyncadd.s32 $0xFFFF8000  }
0x3f: {  	[hbm4b:s17+s2] =	stream.linear.scatter [tilespmem:s6], [sflag:$0x2], $0x8000, $0x38;
	[tilespmem:$0x8200] =	vst v63  }
0x40: {  	s19 =	sor.u32 $0xC000, s20;
	_ =	swait.ge [sflag:s3], $0x8000  }
0x41: {  	s18 =	sshrl.u32 s19, $0x3;
	[sflag:s3] =	ssyncset.done $0x0  }
0x42: {  	s18 =	sadd.s32 s23, s18;
	[sflag:s3] =	ssyncadd.s32 $0xFFFF8000  }
0x43: {  	[tilespmem:s2], [sflag:$0x2] =	stream.linear.gather [hbm4b:s18+s2], $0x200, $0x38;
	[tilespmem:$0x8200] =	vst v63  }
0x44: {  	_ =	swait.ge [sflag:s3], $0x200  }
0x45: {  	[sflag:s3] =	ssyncset.done $0x0  }
0x46: {  	[sflag:s3] =	ssyncadd.s32 $0xFFFFFE00  }
0x47: {  	[tilespmem:s6], [sflag:$0x1] =	stream.indirect.gather [hbm4b:s10+s6], $0x40, s2, s6, $0xb8;
	[tilespmem:$0x8200] =	vst v63  }
0x48: {  	_ =	swait.ge [sflag:s7], $0x8000  }
0x49: {  	s19 =	sshll.u32 s19, $0x3;
	[sflag:s7] =	ssyncset.done $0x0  }
0x4a: {  	s19 =	sadd.s32 s22, s19;
	[sflag:s7] =	ssyncadd.s32 $0xFFFF8000  }
0x4b: {  	[hbm4b:s19+s2] =	stream.linear.scatter [tilespmem:s6], [sflag:$0x2], $0x8000, $0x38;
	[tilespmem:$0x8200] =	vst v63  }
0x4c: {  	s24 =	sor.u32 $0x10000, s20;
	_ =	swait.ge [sflag:s3], $0x8000  }
0x4d: {  	s20 =	sshrl.u32 s24, $0x3;
	[sflag:s3] =	ssyncset.done $0x0  }
0x4e: {  	s21 =	ssub.s32 $0x2, s21;
	s20 =	sadd.s32 s23, s20;
	[sflag:s3] =	ssyncadd.s32 $0xFFFF8000  }
0x4f: {  	[tilespmem:s2], [sflag:$0x2] =	stream.linear.gather [hbm4b:s20+s2], $0x200, $0x38;
	[tilespmem:$0x8200] =	vst v63  }
0x50: {  	s29 =	sshrl.u32 s21, $0x1;
	_ =	swait.ge [sflag:s3], $0x200  }
0x51: {  	s23 =	ssub.s32 s21, s29;
	[sflag:s3] =	ssyncset.done $0x0  }
0x52: {  	s31 =	smax.u32 s23, $0x1;
	[sflag:s3] =	ssyncadd.s32 $0xFFFFFE00  }
0x53: {  	[tilespmem:s6], [sflag:$0x1] =	stream.indirect.gather [hbm4b:s10+s6], $0x40, s2, s6, $0xb8;
	[tilespmem:$0x8200] =	vst v63  }
0x54: {  	p0 =	sne.s32 s31, $0x1;
	_ =	swait.ge [sflag:s7], $0x8000  }
.Ltmp0:
0x55: {  	s30 =	sshll.u32 s24, $0x3;
	[sflag:s7] =	ssyncset.done $0x0;
	(pc) =	sbr.rel @!p0 .LBB2_2-.Ltmp0, $4  }
0x56: {  	s21 =	sadd.s32 s22, s30;
	[sflag:s7] =	ssyncadd.s32 $0xFFFF8000  }
0x57: {  	[hbm4b:s21+s2] =	stream.linear.scatter [tilespmem:s6], [sflag:$0x2], $0x8000, $0x38;
	[tilespmem:$0x8200] =	vst v63  }
0x58: {  	_ =	swait.ge [sflag:s3], $0x8000  }
0x59: {  	s22 =	sadd.s32 $0xFFFFFFFF, s31;
	[sflag:s3] =	ssyncset.done $0x0  }
.LBB2_1:
0x5a: {  	p0 =	sne.s32 s22, $0x1;
	s22 =	sadd.s32 $0xFFFFFFFF, s22;
	[sflag:s3] =	ssyncadd.s32 $0xFFFF8000  }
0x5b: {  	[tilespmem:s2], [sflag:$0x2] =	stream.linear.gather [hbm4b:s4+s2], $0x200, $0x38;
	[tilespmem:$0x8200] =	vst v63  }
0x5c: {  	_ =	swait.ge [sflag:s3], $0x200  }
0x5d: {  	[sflag:s3] =	ssyncset.done $0x0  }
0x5e: {  	[sflag:s3] =	ssyncadd.s32 $0xFFFFFE00  }
0x5f: {  	[tilespmem:s6], [sflag:$0x1] =	stream.indirect.gather [hbm4b:s5+s6], $0x40, s2, s6, $0xb8;
	[tilespmem:$0x8200] =	vst v63  }
0x60: {  	_ =	swait.ge [sflag:s7], $0x8000  }
0x61: {  	[sflag:s7] =	ssyncset.done $0x0  }
0x62: {  	[sflag:s7] =	ssyncadd.s32 $0xFFFF8000  }
0x63: {  	[hbm4b:s8+s2] =	stream.linear.scatter [tilespmem:s6], [sflag:$0x2], $0x8000, $0x38;
	[tilespmem:$0x8200] =	vst v63  }
0x64: {  	_ =	swait.ge [sflag:s3], $0x8000  }
0x65: {  	[sflag:s3] =	ssyncset.done $0x0  }
0x66: {  	[sflag:s3] =	ssyncadd.s32 $0xFFFF8000  }
0x67: {  	[tilespmem:s2], [sflag:$0x2] =	stream.linear.gather [hbm4b:s9+s2], $0x200, $0x38;
	[tilespmem:$0x8200] =	vst v63  }
0x68: {  	_ =	swait.ge [sflag:s3], $0x200  }
0x69: {  	[sflag:s3] =	ssyncset.done $0x0  }
0x6a: {  	[sflag:s3] =	ssyncadd.s32 $0xFFFFFE00  }
0x6b: {  	[tilespmem:s6], [sflag:$0x1] =	stream.indirect.gather [hbm4b:s10+s6], $0x40, s2, s6, $0xb8;
	[tilespmem:$0x8200] =	vst v63  }
0x6c: {  	_ =	swait.ge [sflag:s7], $0x8000  }
0x6d: {  	[sflag:s7] =	ssyncset.done $0x0  }
0x6e: {  	[sflag:s7] =	ssyncadd.s32 $0xFFFF8000  }
0x6f: {  	[hbm4b:s11+s2] =	stream.linear.scatter [tilespmem:s6], [sflag:$0x2], $0x8000, $0x38;
	[tilespmem:$0x8200] =	vst v63  }
0x70: {  	_ =	swait.ge [sflag:s3], $0x8000  }
0x71: {  	[sflag:s3] =	ssyncset.done $0x0  }
0x72: {  	[sflag:s3] =	ssyncadd.s32 $0xFFFF8000  }
0x73: {  	[tilespmem:s2], [sflag:$0x2] =	stream.linear.gather [hbm4b:s12+s2], $0x200, $0x38;
	[tilespmem:$0x8200] =	vst v63  }
0x74: {  	_ =	swait.ge [sflag:s3], $0x200  }
0x75: {  	[sflag:s3] =	ssyncset.done $0x0  }
0x76: {  	[sflag:s3] =	ssyncadd.s32 $0xFFFFFE00  }
0x77: {  	[tilespmem:s6], [sflag:$0x1] =	stream.indirect.gather [hbm4b:s10+s6], $0x40, s2, s6, $0xb8;
	[tilespmem:$0x8200] =	vst v63  }
0x78: {  	_ =	swait.ge [sflag:s7], $0x8000  }
0x79: {  	[sflag:s7] =	ssyncset.done $0x0  }
0x7a: {  	[sflag:s7] =	ssyncadd.s32 $0xFFFF8000  }
0x7b: {  	[hbm4b:s13+s2] =	stream.linear.scatter [tilespmem:s6], [sflag:$0x2], $0x8000, $0x38;
	[tilespmem:$0x8200] =	vst v63  }
0x7c: {  	_ =	swait.ge [sflag:s3], $0x8000  }
0x7d: {  	[sflag:s3] =	ssyncset.done $0x0  }
0x7e: {  	[sflag:s3] =	ssyncadd.s32 $0xFFFF8000  }
0x7f: {  	[tilespmem:s2], [sflag:$0x2] =	stream.linear.gather [hbm4b:s14+s2], $0x200, $0x38;
	[tilespmem:$0x8200] =	vst v63  }
0x80: {  	_ =	swait.ge [sflag:s3], $0x200  }
0x81: {  	[sflag:s3] =	ssyncset.done $0x0  }
0x82: {  	[sflag:s3] =	ssyncadd.s32 $0xFFFFFE00  }
0x83: {  	[tilespmem:s6], [sflag:$0x1] =	stream.indirect.gather [hbm4b:s10+s6], $0x40, s2, s6, $0xb8;
	[tilespmem:$0x8200] =	vst v63  }
0x84: {  	_ =	swait.ge [sflag:s7], $0x8000  }
0x85: {  	[sflag:s7] =	ssyncset.done $0x0  }
0x86: {  	[sflag:s7] =	ssyncadd.s32 $0xFFFF8000  }
0x87: {  	[hbm4b:s15+s2] =	stream.linear.scatter [tilespmem:s6], [sflag:$0x2], $0x8000, $0x38;
	[tilespmem:$0x8200] =	vst v63  }
0x88: {  	_ =	swait.ge [sflag:s3], $0x8000  }
0x89: {  	[sflag:s3] =	ssyncset.done $0x0  }
0x8a: {  	[sflag:s3] =	ssyncadd.s32 $0xFFFF8000  }
0x8b: {  	[tilespmem:s2], [sflag:$0x2] =	stream.linear.gather [hbm4b:s16+s2], $0x200, $0x38;
	[tilespmem:$0x8200] =	vst v63  }
0x8c: {  	_ =	swait.ge [sflag:s3], $0x200  }
0x8d: {  	[sflag:s3] =	ssyncset.done $0x0  }
0x8e: {  	[sflag:s3] =	ssyncadd.s32 $0xFFFFFE00  }
0x8f: {  	[tilespmem:s6], [sflag:$0x1] =	stream.indirect.gather [hbm4b:s10+s6], $0x40, s2, s6, $0xb8;
	[tilespmem:$0x8200] =	vst v63  }
0x90: {  	_ =	swait.ge [sflag:s7], $0x8000  }
0x91: {  	[sflag:s7] =	ssyncset.done $0x0  }
0x92: {  	[sflag:s7] =	ssyncadd.s32 $0xFFFF8000  }
0x93: {  	[hbm4b:s17+s2] =	stream.linear.scatter [tilespmem:s6], [sflag:$0x2], $0x8000, $0x38;
	[tilespmem:$0x8200] =	vst v63  }
0x94: {  	_ =	swait.ge [sflag:s3], $0x8000  }
0x95: {  	[sflag:s3] =	ssyncset.done $0x0  }
0x96: {  	[sflag:s3] =	ssyncadd.s32 $0xFFFF8000  }
0x97: {  	[tilespmem:s2], [sflag:$0x2] =	stream.linear.gather [hbm4b:s18+s2], $0x200, $0x38;
	[tilespmem:$0x8200] =	vst v63  }
0x98: {  	_ =	swait.ge [sflag:s3], $0x200  }
0x99: {  	[sflag:s3] =	ssyncset.done $0x0  }
0x9a: {  	[sflag:s3] =	ssyncadd.s32 $0xFFFFFE00  }
0x9b: {  	[tilespmem:s6], [sflag:$0x1] =	stream.indirect.gather [hbm4b:s10+s6], $0x40, s2, s6, $0xb8;
	[tilespmem:$0x8200] =	vst v63  }
0x9c: {  	_ =	swait.ge [sflag:s7], $0x8000  }
0x9d: {  	[sflag:s7] =	ssyncset.done $0x0  }
0x9e: {  	[sflag:s7] =	ssyncadd.s32 $0xFFFF8000  }
0x9f: {  	[hbm4b:s19+s2] =	stream.linear.scatter [tilespmem:s6], [sflag:$0x2], $0x8000, $0x38;
	[tilespmem:$0x8200] =	vst v63  }
0xa0: {  	_ =	swait.ge [sflag:s3], $0x8000  }
0xa1: {  	[sflag:s3] =	ssyncset.done $0x0  }
0xa2: {  	[sflag:s3] =	ssyncadd.s32 $0xFFFF8000  }
0xa3: {  	[tilespmem:s2], [sflag:$0x2] =	stream.linear.gather [hbm4b:s20+s2], $0x200, $0x38;
	[tilespmem:$0x8200] =	vst v63  }
0xa4: {  	_ =	swait.ge [sflag:s3], $0x200  }
0xa5: {  	[sflag:s3] =	ssyncset.done $0x0  }
0xa6: {  	[sflag:s3] =	ssyncadd.s32 $0xFFFFFE00  }
0xa7: {  	[tilespmem:s6], [sflag:$0x1] =	stream.indirect.gather [hbm4b:s10+s6], $0x40, s2, s6, $0xb8;
	[tilespmem:$0x8200] =	vst v63  }
0xa8: {  	_ =	swait.ge [sflag:s7], $0x8000  }
.Ltmp1:
0xa9: {  	[sflag:s7] =	ssyncset.done $0x0;
	(pc) =	sbr.rel @p0 .LBB2_1-.Ltmp1, $4  }
0xaa: {  	[sflag:s7] =	ssyncadd.s32 $0xFFFF8000  }
0xab: {  	[hbm4b:s21+s2] =	stream.linear.scatter [tilespmem:s6], [sflag:$0x2], $0x8000, $0x38;
	[tilespmem:$0x8200] =	vst v63  }
0xac: {  	_ =	swait.ge [sflag:s3], $0x8000  }
0xad: {  	[sflag:s3] =	ssyncset.done $0x0  }
.LBB2_2:
0xae: {  	[sflag:s3] =	ssyncadd.s32 $0xFFFF8000  }
0xaf: {  	_ =	sfence.sel $0x180000  }
0xb0: {  	[bflag:$0x0] =	sbarrier.arrive $0xFFFF  }
0xb1: {  	p0 =	sne.s32 s0, $0x0;
	_ =	strace $0x90000047  }
0xb2: {  	s0 =	sadd.s32 @!p0 $0x100000, s1;
	[bflag:$0x2] =	sbarrier.arrive $0xFFFF  }
0xb3: {  	[sflag:s0] =	ssyncadd.tile.s32 @!p0 $0x1;
	_ =	shalt  }
.Lfunc_end2:
_tile_overlayer_lowered:
.L_overlay_start_2:
0xb4: {  	(tag) =	ssettag $0x2  }
0xb5: {  	s0 =	rddreg [dreg:$0x0];
	s2 =	stileid.u32  }
0xb6: {  	s1 =	rddreg [dreg:$0x1];
	p0 =	sne.s32 s2, $0x0  }
0xb7: {  	s3 =	rddreg [dreg:$0x2];
	[bflag:$0x3] =	sbarrier.arrive $0xFFFF;
	s2 =	simm.s32 @!p0 $0x1C02  }
0xb8: {  	[timem:s3], [sflag:s2] =	dma.local @!p0 [hbm:s0], s1  }
0xb9: {  	s0 =	simm.s32 @!p0 $0x2  }
0xba: {  	_ =	swait.ge @!p0 [sflag:s0], s1  }
0xbb: {  	s1 =	ssub.s32 @!p0 $0x0, s1;
	[sflag:s0] =	ssyncset.done @!p0 $0x0  }
0xbc: {  	[sflag:s0] =	ssyncadd.s32 @!p0 s1  }
0xbd: {  	[bflag:$0x3] =	sbarrier.arrive $0xFFFF  }
0xbe: {  	_ =	shalt  }

</sc_bundles>
